<compile_context>
chip_gen: v7x
topology: tpu7x:2x2x1
jax: 0.10.2.dev20260603
libtpu: 0.0.44.dev20260713+nightly
codegen_flags: <defaults>
</compile_context>

<pallas_src>
import functools

import jax
import jax.numpy as jnp
from jax import lax
from jax.experimental import pallas as pl
from jax.experimental.pallas import tpu as pltpu
from jax.experimental.pallas import tpu_sc as plsc

VOCAB_TILE = 2048
ROW_BLOCK = 128


def _gather_body(num_cores, rows_per_worker, table_hbm, idx_hbm, out_hbm,
                 idx_v, rows_v, sem):
    wid = lax.axis_index("s") * num_cores + lax.axis_index("c")
    base = wid * rows_per_worker
    pltpu.sync_copy(idx_hbm.at[pl.ds(base, rows_per_worker)], idx_v)
    pltpu.async_copy(table_hbm.at[idx_v], rows_v, sem).wait()
    pltpu.sync_copy(rows_v, out_hbm.at[pl.ds(base, rows_per_worker)])


def _sc_gather(table, idx_flat):
    info = plsc.get_sparse_core_info()
    num_workers = info.num_cores * info.num_subcores
    n_rows = idx_flat.shape[0]
    depth = table.shape[1]
    rows_per_worker = n_rows // num_workers
    mesh = plsc.VectorSubcoreMesh(core_axis_name="c", subcore_axis_name="s")
    k = pl.kernel(
        functools.partial(_gather_body, info.num_cores, rows_per_worker),
        mesh=mesh,
        out_type=jax.ShapeDtypeStruct((n_rows, depth), jnp.float32),
        scratch_types=[
            pltpu.VMEM((rows_per_worker,), jnp.int32),
            pltpu.VMEM((rows_per_worker, depth), jnp.float32),
            pltpu.SemaphoreType.DMA,
        ],
        compiler_params=pltpu.CompilerParams(use_tc_tiling_on_sc=False),
    )
    return k(table, idx_flat)


def _mlp_body(h0, w1, b1, w2, b2, w3, b3, out_ref):
    h = jnp.dot(h0[...], w1[...], preferred_element_type=jnp.float32)
    h = jnp.maximum(h + b1[...], 0.0)
    h = jnp.dot(h, w2[...], preferred_element_type=jnp.float32)
    h = jnp.maximum(h + b2[...], 0.0)
    h = jnp.dot(h, w3[...], preferred_element_type=jnp.float32)
    out_ref[...] = jnp.maximum(h + b3[...], 0.0)


def _mlp(h0, w1, b1, w2, b2, w3, b3):
    batch = h0.shape[0]
    return pl.pallas_call(
        _mlp_body,
        out_shape=jax.ShapeDtypeStruct((batch, w3.shape[1]), jnp.float32),
    )(h0, w1, b1.reshape(1, -1), w2, b2.reshape(1, -1), w3, b3.reshape(1, -1))


def _stats_body(vocab, h_ref, w_ref, b_ref, logz_ref, m_scr, s_scr, mt_scr,
                st_scr):
    j = pl.program_id(0)
    last = pl.num_programs(0) - 1
    logits = jnp.dot(h_ref[...], w_ref[...],
                     preferred_element_type=jnp.float32) + b_ref[...]

    @pl.when(j < last)
    def _():
        m_tile = jnp.max(logits, axis=1, keepdims=True)
        mt_scr[...] = m_tile
        st_scr[...] = jnp.sum(jnp.exp(logits - m_tile), axis=1, keepdims=True)

    @pl.when(j == last)
    def _():
        col = j * VOCAB_TILE + lax.broadcasted_iota(jnp.int32, logits.shape, 1)
        masked = jnp.where(col < vocab, logits, -jnp.inf)
        m_tile = jnp.max(masked, axis=1, keepdims=True)
        mt_scr[...] = m_tile
        st_scr[...] = jnp.sum(jnp.exp(masked - m_tile), axis=1, keepdims=True)

    @pl.when(j == 0)
    def _():
        m_scr[...] = mt_scr[...]
        s_scr[...] = st_scr[...]

    @pl.when(j > 0)
    def _():
        m_prev = m_scr[...]
        m_new = jnp.maximum(m_prev, mt_scr[...])
        s_scr[...] = (s_scr[...] * jnp.exp(m_prev - m_new)
                      + st_scr[...] * jnp.exp(mt_scr[...] - m_new))
        m_scr[...] = m_new

    @pl.when(j == last)
    def _():
        logz_ref[...] = m_scr[...] + jnp.log(s_scr[...])


def _out_body(h_ref, w_ref, b_ref, logz_ref, out_ref):
    logits = jnp.dot(h_ref[...], w_ref[...],
                     preferred_element_type=jnp.float32) + b_ref[...]
    out_ref[...] = logits - logz_ref[...]


def _log_softmax_head(h, w4, b4):
    batch, hid = h.shape
    vocab = w4.shape[1]
    n_tiles = pl.cdiv(vocab, VOCAB_TILE)
    n_rb = batch // ROW_BLOCK
    b4_2d = b4.reshape(1, -1)

    logz = pl.pallas_call(
        functools.partial(_stats_body, vocab),
        grid=(n_tiles,),
        in_specs=[
            pl.BlockSpec((batch, hid), lambda j: (0, 0)),
            pl.BlockSpec((hid, VOCAB_TILE), lambda j: (0, j)),
            pl.BlockSpec((1, VOCAB_TILE), lambda j: (0, j)),
        ],
        out_specs=pl.BlockSpec((batch, 1), lambda j: (0, 0)),
        out_shape=jax.ShapeDtypeStruct((batch, 1), jnp.float32),
        scratch_shapes=[
            pltpu.VMEM((batch, 1), jnp.float32),
            pltpu.VMEM((batch, 1), jnp.float32),
            pltpu.VMEM((batch, 1), jnp.float32),
            pltpu.VMEM((batch, 1), jnp.float32),
        ],
    )(h, w4, b4_2d)

    return pl.pallas_call(
        _out_body,
        grid=(n_tiles,),
        in_specs=[
            pl.BlockSpec((batch, hid), lambda j: (0, 0)),
            pl.BlockSpec((hid, VOCAB_TILE), lambda j: (0, j)),
            pl.BlockSpec((1, VOCAB_TILE), lambda j: (0, j)),
            pl.BlockSpec((batch, 1), lambda j: (0, 0)),
        ],
        out_specs=pl.BlockSpec((batch, VOCAB_TILE), lambda j: (0, j)),
        out_shape=jax.ShapeDtypeStruct((batch, vocab), jnp.float32),
        compiler_params=pltpu.CompilerParams(
            dimension_semantics=("parallel",)),
    )(h, w4, b4_2d, logz)


def kernel(x, table, W1, b1, W2, b2, W3, b3, W4, b4):
    batch, ctx = x.shape
    rows = _sc_gather(table, x.reshape(-1).astype(jnp.int32))
    h0 = rows.reshape(batch, ctx * table.shape[1])
    h3 = _mlp(h0, W1, b1, W2, b2, W3, b3)
    return _log_softmax_head(h3, W4, b4)

# --- scband reference (transcript-rebuilt; emitter-appended) ---
"""Pipeline reference for scband-embeder-22213570854968 (READ-ONLY COPY).

The authoritative reference and input builder live on the scoring server;
editing this copy changes nothing except your own understanding.
"""

import jax, jax.numpy as jnp
import numpy as np

VOCAB = 100000
EMBED = 32
CTX = 20
BATCH = 1024


def setup_inputs(seed: int = 0) -> dict:
    key = jax.random.key(seed)
    ks = jax.random.split(key, 11)
    x = jax.random.randint(ks[0], (BATCH, CTX), 0, VOCAB, dtype=jnp.int64 if jax.config.jax_enable_x64 else jnp.int32)
    table = jax.random.normal(ks[1], (VOCAB, EMBED), dtype=jnp.float32) * 0.02
    W1 = jax.random.normal(ks[2], (CTX * EMBED, 128), dtype=jnp.float32) * 0.05
    b1 = jnp.zeros((128,), dtype=jnp.float32)
    W2 = jax.random.normal(ks[3], (128, 64), dtype=jnp.float32) * 0.05
    b2 = jnp.zeros((64,), dtype=jnp.float32)
    W3 = jax.random.normal(ks[4], (64, 128), dtype=jnp.float32) * 0.05
    b3 = jnp.zeros((128,), dtype=jnp.float32)
    W4 = jax.random.normal(ks[5], (128, VOCAB), dtype=jnp.float32) * 0.05
    b4 = jnp.zeros((VOCAB,), dtype=jnp.float32)
    return {"x": x, "table": table, "W1": W1, "b1": b1, "W2": W2, "b2": b2,
            "W3": W3, "b3": b3, "W4": W4, "b4": b4}


def reference(x, table, W1, b1, W2, b2, W3, b3, W4, b4):
    # embedding lookup (gather) then flatten context
    h = jnp.take(table, x, axis=0).reshape(x.shape[0], -1)
    h = jax.nn.relu(h @ W1 + b1)
    h = jax.nn.relu(h @ W2 + b2)
    h = jax.nn.relu(h @ W3 + b3)
    logits = h @ W4 + b4
    return jax.nn.log_softmax(logits, axis=1)

if __name__ == "__main__":
    import jax
    _d = setup_inputs()
    print(jax.jit(kernel)(*tuple(_d.values())))

</pallas_src>

<mosaic_0001>
#map = affine_map<(d0, d1) -> (0, 0)>
#map1 = affine_map<(d0, d1) -> (0)>
module attributes {stable_mosaic.version = 14 : i64} {
  func.func @_gather_body(%arg0: i32, %arg1: i32, %arg2: memref<100000x32xf32, #tpu.memory_space<hbm>>, %arg3: memref<20480xi32, #tpu.memory_space<hbm>>, %arg4: memref<20480x32xf32, #tpu.memory_space<hbm>>, %arg5: memref<640xi32, #tpu.memory_space<vmem>>, %arg6: memref<640x32xf32, #tpu.memory_space<vmem>>, %arg7: memref<!tpu.dma_semaphore, #tpu.memory_space<semaphore_mem>>) attributes {dimension_semantics = [#tpu.dimension_semantics<core_parallel>, #tpu.dimension_semantics<subcore_parallel>], iteration_bounds = array<i64: 2, 16>, scalar_prefetch = 0 : i64, scratch_operands = 3 : i64, tpu.core_type = #tpu.core_type<sc_vector_subcore>, window_params = [{transform_indices = #map}, {transform_indices = #map1}, {transform_indices = #map}]} {
    %mul3A = arith.constant 2 : i32
    %mul3A_0 = arith.muli %arg1, %mul3A : i32
    %add3A = arith.addi %mul3A_0, %arg0 : i32
    %mul3A_1 = arith.constant 640 : i32
    %mul3A_2 = arith.muli %add3A, %mul3A_1 : i32
    "tpu.region"() ({
      %run_scoped3A = tpu.sem_alloc : memref<!tpu.dma_semaphore, #tpu.memory_space<semaphore_mem>>
      %dma_start3A_7 = tpu.memref_slice %arg3[%mul3A_2] : memref<20480xi32, #tpu.memory_space<hbm>> -> memref<640xi32, #tpu.memory_space<hbm>>
      %dma_start3A_8 = tpu.memref_slice %arg3[%mul3A_2] : memref<20480xi32, #tpu.memory_space<hbm>> -> memref<640xi32, #tpu.memory_space<hbm>>
      tpu.enqueue_dma source(%dma_start3A_8 : memref<640xi32, #tpu.memory_space<hbm>>) target(%arg5 : memref<640xi32, #tpu.memory_space<vmem>>) target_semaphore(%run_scoped3A : memref<!tpu.dma_semaphore, #tpu.memory_space<semaphore_mem>>)
      %dma_wait3A_9 = tpu.memref_slice %arg3[%mul3A_2] : memref<20480xi32, #tpu.memory_space<hbm>> -> memref<640xi32, #tpu.memory_space<hbm>>
      %dma_wait3A_10 = tpu.memref_slice %arg3[%mul3A_2] : memref<20480xi32, #tpu.memory_space<hbm>> -> memref<640xi32, #tpu.memory_space<hbm>>
      tpu.wait_dma2 semaphore(%run_scoped3A : memref<!tpu.dma_semaphore, #tpu.memory_space<semaphore_mem>>) src(%dma_wait3A_10 : memref<640xi32, #tpu.memory_space<hbm>>) dst(%arg5 : memref<640xi32, #tpu.memory_space<vmem>>)
      tpu.yield
    }) : () -> ()
    %dma_start3A = arith.constant 0 : i32
    %dma_start3A_3 = arith.constant 0 : i32
    %dma_start3A_4 = tpu.memref_slice %arg2[%dma_start3A, %dma_start3A_3] : memref<100000x32xf32, #tpu.memory_space<hbm>> -> memref<100000x32xf32, #tpu.memory_space<hbm>>
    tpu.enqueue_indirect_dma source(%dma_start3A_4 : memref<100000x32xf32, #tpu.memory_space<hbm>>) target(%arg6 : memref<640x32xf32, #tpu.memory_space<vmem>>) offsets(%arg5 : memref<640xi32, #tpu.memory_space<vmem>>) semaphore(%arg7 : memref<!tpu.dma_semaphore, #tpu.memory_space<semaphore_mem>>)
    %dma_wait3A = arith.constant 0 : i32
    %dma_wait3A_5 = arith.constant 0 : i32
    %dma_wait3A_6 = tpu.memref_slice %arg2[%dma_wait3A, %dma_wait3A_5] : memref<100000x32xf32, #tpu.memory_space<hbm>> -> memref<100000x32xf32, #tpu.memory_space<hbm>>
    tpu.wait_indirect_dma semaphore(%arg7 : memref<!tpu.dma_semaphore, #tpu.memory_space<semaphore_mem>>) src(%dma_wait3A_6 : memref<100000x32xf32, #tpu.memory_space<hbm>>) dst(%arg6 : memref<640x32xf32, #tpu.memory_space<vmem>>)
    "tpu.region"() ({
      %run_scoped3A = tpu.sem_alloc : memref<!tpu.dma_semaphore, #tpu.memory_space<semaphore_mem>>
      %dma_start3A_7 = arith.constant 0 : i32
      %dma_start3A_8 = tpu.memref_slice %arg4[%mul3A_2, %dma_start3A_7] : memref<20480x32xf32, #tpu.memory_space<hbm>> -> memref<640x32xf32, #tpu.memory_space<hbm>>
      %dma_start3A_9 = arith.constant 0 : i32
      %dma_start3A_10 = tpu.memref_slice %arg4[%mul3A_2, %dma_start3A_9] : memref<20480x32xf32, #tpu.memory_space<hbm>> -> memref<640x32xf32, #tpu.memory_space<hbm>>
      tpu.enqueue_dma source(%arg6 : memref<640x32xf32, #tpu.memory_space<vmem>>) target(%dma_start3A_10 : memref<640x32xf32, #tpu.memory_space<hbm>>) target_semaphore(%run_scoped3A : memref<!tpu.dma_semaphore, #tpu.memory_space<semaphore_mem>>)
      %dma_wait3A_11 = arith.constant 0 : i32
      %dma_wait3A_12 = tpu.memref_slice %arg4[%mul3A_2, %dma_wait3A_11] : memref<20480x32xf32, #tpu.memory_space<hbm>> -> memref<640x32xf32, #tpu.memory_space<hbm>>
      %dma_wait3A_13 = arith.constant 0 : i32
      %dma_wait3A_14 = tpu.memref_slice %arg4[%mul3A_2, %dma_wait3A_13] : memref<20480x32xf32, #tpu.memory_space<hbm>> -> memref<640x32xf32, #tpu.memory_space<hbm>>
      tpu.wait_dma2 semaphore(%run_scoped3A : memref<!tpu.dma_semaphore, #tpu.memory_space<semaphore_mem>>) src(%arg6 : memref<640x32xf32, #tpu.memory_space<vmem>>) dst(%dma_wait3A_14 : memref<640x32xf32, #tpu.memory_space<hbm>>)
      tpu.yield
    }) : () -> ()
    return
  }
}

module attributes {stable_mosaic.version = 14 : i64} {
  func.func @_mlp_body(%arg0: memref<1024x640xf32, #tpu.memory_space<vmem>>, %arg1: memref<640x128xf32, #tpu.memory_space<vmem>>, %arg2: memref<1x128xf32, #tpu.memory_space<vmem>>, %arg3: memref<128x64xf32, #tpu.memory_space<vmem>>, %arg4: memref<1x64xf32, #tpu.memory_space<vmem>>, %arg5: memref<64x128xf32, #tpu.memory_space<vmem>>, %arg6: memref<1x128xf32, #tpu.memory_space<vmem>>, %arg7: memref<1024x128xf32, #tpu.memory_space<vmem>>) attributes {dimension_semantics = [], scalar_prefetch = 0 : i64, scratch_operands = 0 : i64, tpu.core_type = #tpu.core_type<tc>} {
    %get3A = arith.constant 0 : index
    %get3A_0 = arith.constant 0 : index
    %get3A_1 = vector.load %arg0[%get3A, %get3A_0] : memref<1024x640xf32, #tpu.memory_space<vmem>>, vector<1024x640xf32>
    %get3A_2 = arith.constant 0 : index
    %get3A_3 = arith.constant 0 : index
    %get3A_4 = vector.load %arg1[%get3A_2, %get3A_3] : memref<640x128xf32, #tpu.memory_space<vmem>>, vector<640x128xf32>
    %dot_general3A = arith.constant dense<0.000000e+00> : vector<1024x128xf32>
    %dot_general3A_5 = tpu.matmul %get3A_1, %get3A_4, %dot_general3A {dimension_numbers = #tpu.dot_dimension_numbers<[1], [0], [0], [1], [0, 0, 1, 1], [], []>, transpose_lhs_hint = false} : vector<1024x640xf32>, vector<640x128xf32>, vector<1024x128xf32> -> vector<1024x128xf32>
    %get3A_6 = arith.constant 0 : index
    %get3A_7 = arith.constant 0 : index
    %get3A_8 = vector.load %arg2[%get3A_6, %get3A_7] : memref<1x128xf32, #tpu.memory_space<vmem>>, vector<1x128xf32>
    %add3A = vector.broadcast %get3A_8 : vector<1x128xf32> to vector<1024x128xf32>
    %add3A_9 = arith.addf %dot_general3A_5, %add3A : vector<1024x128xf32>
    %max3A = arith.constant 0.000000e+00 : f32
    %max3A_10 = vector.broadcast %max3A : f32 to vector<1024x128xf32>
    %max3A_11 = arith.maximumf %add3A_9, %max3A_10 : vector<1024x128xf32>
    %get3A_12 = arith.constant 0 : index
    %get3A_13 = arith.constant 0 : index
    %get3A_14 = vector.load %arg3[%get3A_12, %get3A_13] : memref<128x64xf32, #tpu.memory_space<vmem>>, vector<128x64xf32>
    %dot_general3A_15 = arith.constant dense<0.000000e+00> : vector<1024x64xf32>
    %dot_general3A_16 = tpu.matmul %max3A_11, %get3A_14, %dot_general3A_15 {dimension_numbers = #tpu.dot_dimension_numbers<[1], [0], [0], [1], [0, 0, 1, 1], [], []>, transpose_lhs_hint = false} : vector<1024x128xf32>, vector<128x64xf32>, vector<1024x64xf32> -> vector<1024x64xf32>
    %get3A_17 = arith.constant 0 : index
    %get3A_18 = arith.constant 0 : index
    %get3A_19 = vector.load %arg4[%get3A_17, %get3A_18] : memref<1x64xf32, #tpu.memory_space<vmem>>, vector<1x64xf32>
    %add3A_20 = vector.broadcast %get3A_19 : vector<1x64xf32> to vector<1024x64xf32>
    %add3A_21 = arith.addf %dot_general3A_16, %add3A_20 : vector<1024x64xf32>
    %max3A_22 = arith.constant 0.000000e+00 : f32
    %max3A_23 = vector.broadcast %max3A_22 : f32 to vector<1024x64xf32>
    %max3A_24 = arith.maximumf %add3A_21, %max3A_23 : vector<1024x64xf32>
    %get3A_25 = arith.constant 0 : index
    %get3A_26 = arith.constant 0 : index
    %get3A_27 = vector.load %arg5[%get3A_25, %get3A_26] : memref<64x128xf32, #tpu.memory_space<vmem>>, vector<64x128xf32>
    %dot_general3A_28 = arith.constant dense<0.000000e+00> : vector<1024x128xf32>
    %dot_general3A_29 = tpu.matmul %max3A_24, %get3A_27, %dot_general3A_28 {dimension_numbers = #tpu.dot_dimension_numbers<[1], [0], [0], [1], [0, 0, 1, 1], [], []>, transpose_lhs_hint = false} : vector<1024x64xf32>, vector<64x128xf32>, vector<1024x128xf32> -> vector<1024x128xf32>
    %get3A_30 = arith.constant 0 : index
    %get3A_31 = arith.constant 0 : index
    %get3A_32 = vector.load %arg6[%get3A_30, %get3A_31] : memref<1x128xf32, #tpu.memory_space<vmem>>, vector<1x128xf32>
    %add3A_33 = vector.broadcast %get3A_32 : vector<1x128xf32> to vector<1024x128xf32>
    %add3A_34 = arith.addf %dot_general3A_29, %add3A_33 : vector<1024x128xf32>
    %max3A_35 = arith.constant 0.000000e+00 : f32
    %max3A_36 = vector.broadcast %max3A_35 : f32 to vector<1024x128xf32>
    %max3A_37 = arith.maximumf %add3A_34, %max3A_36 : vector<1024x128xf32>
    %swap3A = arith.constant 0 : index
    %swap3A_38 = arith.constant 0 : index
    %swap3A_39 = vector.load %arg7[%swap3A, %swap3A_38] : memref<1024x128xf32, #tpu.memory_space<vmem>>, vector<1024x128xf32>
    tpu.vector_store %arg7[%swap3A, %swap3A_38], %max3A_37 {strides = array<i32>} : memref<1024x128xf32, #tpu.memory_space<vmem>>, vector<1024x128xf32>,
    return
  }
}

module attributes {stable_mosaic.version = 14 : i64} {
  func.func @_stats_body(%arg0: i32, %arg1: memref<1024x128xf32, #tpu.memory_space<vmem>>, %arg2: memref<128x2048xf32, #tpu.memory_space<vmem>>, %arg3: memref<1x2048xf32, #tpu.memory_space<vmem>>, %arg4: memref<1024x1xf32, #tpu.memory_space<vmem>>, %arg5: memref<1024x1xf32, #tpu.memory_space<vmem>>, %arg6: memref<1024x1xf32, #tpu.memory_space<vmem>>, %arg7: memref<1024x1xf32, #tpu.memory_space<vmem>>, %arg8: memref<1024x1xf32, #tpu.memory_space<vmem>>) attributes {dimension_semantics = [#tpu.dimension_semantics<arbitrary>], iteration_bounds = array<i64: 49>, scalar_prefetch = 0 : i64, scratch_operands = 4 : i64, tpu.core_type = #tpu.core_type<tc>, window_params = [{pipeline_mode = #tpu.pipeline_mode<synchronous>, transform_indices = @transform_0, window_bounds = array<i64: 1024, 128>}, {transform_indices = @transform_1, window_bounds = array<i64: 128, 2048>}, {transform_indices = @transform_2, window_bounds = array<i64: 1, 2048>}, {pipeline_mode = #tpu.pipeline_mode<synchronous>, transform_indices = @transform_3, window_bounds = array<i64: 1024, 1>}]} {
    %get3A = arith.constant 0 : index
    %get3A_0 = arith.constant 0 : index
    %get3A_1 = vector.load %arg1[%get3A, %get3A_0] : memref<1024x128xf32, #tpu.memory_space<vmem>>, vector<1024x128xf32>
    %get3A_2 = arith.constant 0 : index
    %get3A_3 = arith.constant 0 : index
    %get3A_4 = vector.load %arg2[%get3A_2, %get3A_3] : memref<128x2048xf32, #tpu.memory_space<vmem>>, vector<128x2048xf32>
    %dot_general3A = arith.constant dense<0.000000e+00> : vector<1024x2048xf32>
    %dot_general3A_5 = tpu.matmul %get3A_1, %get3A_4, %dot_general3A {dimension_numbers = #tpu.dot_dimension_numbers<[1], [0], [0], [1], [0, 0, 1, 1], [], []>, transpose_lhs_hint = false} : vector<1024x128xf32>, vector<128x2048xf32>, vector<1024x2048xf32> -> vector<1024x2048xf32>
    %get3A_6 = arith.constant 0 : index
    %get3A_7 = arith.constant 0 : index
    %get3A_8 = vector.load %arg3[%get3A_6, %get3A_7] : memref<1x2048xf32, #tpu.memory_space<vmem>>, vector<1x2048xf32>
    %add3A = vector.broadcast %get3A_8 : vector<1x2048xf32> to vector<1024x2048xf32>
    %add3A_9 = arith.addf %dot_general3A_5, %add3A : vector<1024x2048xf32>
    %lt3A = arith.constant 48 : i32
    %lt3A_10 = arith.cmpi slt, %arg0, %lt3A : i32
    %convert_element_type3A = arith.extui %lt3A_10 : i1 to i32
    %cond3A = arith.constant 0 : i32
    %cond3A_11 = arith.cmpi ne, %convert_element_type3A, %cond3A : i32
    scf.if %cond3A_11 {
      %reduce_max3A = arith.constant dense<0xFF800000> : vector<1024xf32>
      %reduce_max3A_30 = vector.multi_reduction <maximumf>, %add3A_9, %reduce_max3A [1] : vector<1024x2048xf32> to vector<1024xf32>
      %broadcast_in_dim3A = vector.shape_cast %reduce_max3A_30 : vector<1024xf32> to vector<1024x1xf32>
      %swap3A = arith.constant 0 : index
      %swap3A_31 = arith.constant 0 : index
      %swap3A_32 = vector.load %arg7[%swap3A, %swap3A_31] : memref<1024x1xf32, #tpu.memory_space<vmem>>, vector<1024x1xf32>
      tpu.vector_store %arg7[%swap3A, %swap3A_31], %broadcast_in_dim3A {strides = array<i32>} : memref<1024x1xf32, #tpu.memory_space<vmem>>, vector<1024x1xf32>,
      %sub3A = vector.broadcast %broadcast_in_dim3A : vector<1024x1xf32> to vector<1024x2048xf32>
      %sub3A_33 = arith.subf %add3A_9, %sub3A : vector<1024x2048xf32>
      %exp3A = math.exp %sub3A_33 : vector<1024x2048xf32>
      %reduce_sum3A = arith.constant dense<0.000000e+00> : vector<1024xf32>
      %reduce_sum3A_34 = vector.multi_reduction <add>, %exp3A, %reduce_sum3A [1] : vector<1024x2048xf32> to vector<1024xf32>
      %broadcast_in_dim3A_35 = vector.shape_cast %reduce_sum3A_34 : vector<1024xf32> to vector<1024x1xf32>
      %swap3A_36 = arith.constant 0 : index
      %swap3A_37 = arith.constant 0 : index
      %swap3A_38 = vector.load %arg8[%swap3A_36, %swap3A_37] : memref<1024x1xf32, #tpu.memory_space<vmem>>, vector<1024x1xf32>
      tpu.vector_store %arg8[%swap3A_36, %swap3A_37], %broadcast_in_dim3A_35 {strides = array<i32>} : memref<1024x1xf32, #tpu.memory_space<vmem>>, vector<1024x1xf32>,
    } else {
    }
    %eq3A = arith.constant 48 : i32
    %eq3A_12 = arith.cmpi eq, %arg0, %eq3A : i32
    %convert_element_type3A_13 = arith.extui %eq3A_12 : i1 to i32
    %cond3A_14 = arith.constant 0 : i32
    %cond3A_15 = arith.cmpi ne, %convert_element_type3A_13, %cond3A_14 : i32
    scf.if %cond3A_15 {
      %mul3A = arith.constant 2048 : i32
      %mul3A_30 = arith.muli %arg0, %mul3A : i32
      %iota3A = tpu.iota {dimensions = array<i32: 1>} : vector<1024x2048xi32>
      %add3A_31 = vector.broadcast %mul3A_30 : i32 to vector<1024x2048xi32>
      %add3A_32 = arith.addi %add3A_31, %iota3A : vector<1024x2048xi32>
      %lt3A_33 = arith.constant 100000 : i32
      %lt3A_34 = vector.broadcast %lt3A_33 : i32 to vector<1024x2048xi32>
      %lt3A_35 = arith.cmpi slt, %add3A_32, %lt3A_34 : vector<1024x2048xi32>
      %jit3A = arith.constant 0xFF800000 : f32
      %broadcast_in_dim3A = vector.broadcast %jit3A : f32 to vector<1024x2048xf32>
      %select_n3A = arith.select %lt3A_35, %add3A_9, %broadcast_in_dim3A : vector<1024x2048xi1>, vector<1024x2048xf32>
      %reduce_max3A = arith.constant dense<0xFF800000> : vector<1024xf32>
      %reduce_max3A_36 = vector.multi_reduction <maximumf>, %select_n3A, %reduce_max3A [1] : vector<1024x2048xf32> to vector<1024xf32>
      %broadcast_in_dim3A_37 = vector.shape_cast %reduce_max3A_36 : vector<1024xf32> to vector<1024x1xf32>
      %swap3A = arith.constant 0 : index
      %swap3A_38 = arith.constant 0 : index
      %swap3A_39 = vector.load %arg7[%swap3A, %swap3A_38] : memref<1024x1xf32, #tpu.memory_space<vmem>>, vector<1024x1xf32>
      tpu.vector_store %arg7[%swap3A, %swap3A_38], %broadcast_in_dim3A_37 {strides = array<i32>} : memref<1024x1xf32, #tpu.memory_space<vmem>>, vector<1024x1xf32>,
      %sub3A = vector.broadcast %broadcast_in_dim3A_37 : vector<1024x1xf32> to vector<1024x2048xf32>
      %sub3A_40 = arith.subf %select_n3A, %sub3A : vector<1024x2048xf32>
      %exp3A = math.exp %sub3A_40 : vector<1024x2048xf32>
      %reduce_sum3A = arith.constant dense<0.000000e+00> : vector<1024xf32>
      %reduce_sum3A_41 = vector.multi_reduction <add>, %exp3A, %reduce_sum3A [1] : vector<1024x2048xf32> to vector<1024xf32>
      %broadcast_in_dim3A_42 = vector.shape_cast %reduce_sum3A_41 : vector<1024xf32> to vector<1024x1xf32>
      %swap3A_43 = arith.constant 0 : index
      %swap3A_44 = arith.constant 0 : index
      %swap3A_45 = vector.load %arg8[%swap3A_43, %swap3A_44] : memref<1024x1xf32, #tpu.memory_space<vmem>>, vector<1024x1xf32>
      tpu.vector_store %arg8[%swap3A_43, %swap3A_44], %broadcast_in_dim3A_42 {strides = array<i32>} : memref<1024x1xf32, #tpu.memory_space<vmem>>, vector<1024x1xf32>,
    } else {
    }
    %eq3A_16 = arith.constant 0 : i32
    %eq3A_17 = arith.cmpi eq, %arg0, %eq3A_16 : i32
    %convert_element_type3A_18 = arith.extui %eq3A_17 : i1 to i32
    %cond3A_19 = arith.constant 0 : i32
    %cond3A_20 = arith.cmpi ne, %convert_element_type3A_18, %cond3A_19 : i32
    scf.if %cond3A_20 {
      %get3A_30 = arith.constant 0 : index
      %get3A_31 = arith.constant 0 : index
      %get3A_32 = vector.load %arg7[%get3A_30, %get3A_31] : memref<1024x1xf32, #tpu.memory_space<vmem>>, vector<1024x1xf32>
      %swap3A = arith.constant 0 : index
      %swap3A_33 = arith.constant 0 : index
      %swap3A_34 = vector.load %arg5[%swap3A, %swap3A_33] : memref<1024x1xf32, #tpu.memory_space<vmem>>, vector<1024x1xf32>
      tpu.vector_store %arg5[%swap3A, %swap3A_33], %get3A_32 {strides = array<i32>} : memref<1024x1xf32, #tpu.memory_space<vmem>>, vector<1024x1xf32>,
      %get3A_35 = arith.constant 0 : index
      %get3A_36 = arith.constant 0 : index
      %get3A_37 = vector.load %arg8[%get3A_35, %get3A_36] : memref<1024x1xf32, #tpu.memory_space<vmem>>, vector<1024x1xf32>
      %swap3A_38 = arith.constant 0 : index
      %swap3A_39 = arith.constant 0 : index
      %swap3A_40 = vector.load %arg6[%swap3A_38, %swap3A_39] : memref<1024x1xf32, #tpu.memory_space<vmem>>, vector<1024x1xf32>
      tpu.vector_store %arg6[%swap3A_38, %swap3A_39], %get3A_37 {strides = array<i32>} : memref<1024x1xf32, #tpu.memory_space<vmem>>, vector<1024x1xf32>,
    } else {
    }
    %gt3A = arith.constant 0 : i32
    %gt3A_21 = arith.cmpi sgt, %arg0, %gt3A : i32
    %convert_element_type3A_22 = arith.extui %gt3A_21 : i1 to i32
    %cond3A_23 = arith.constant 0 : i32
    %cond3A_24 = arith.cmpi ne, %convert_element_type3A_22, %cond3A_23 : i32
    scf.if %cond3A_24 {
      %get3A_30 = arith.constant 0 : index
      %get3A_31 = arith.constant 0 : index
      %get3A_32 = vector.load %arg5[%get3A_30, %get3A_31] : memref<1024x1xf32, #tpu.memory_space<vmem>>, vector<1024x1xf32>
      %get3A_33 = arith.constant 0 : index
      %get3A_34 = arith.constant 0 : index
      %get3A_35 = vector.load %arg7[%get3A_33, %get3A_34] : memref<1024x1xf32, #tpu.memory_space<vmem>>, vector<1024x1xf32>
      %max3A = arith.maximumf %get3A_32, %get3A_35 : vector<1024x1xf32>
      %get3A_36 = arith.constant 0 : index
      %get3A_37 = arith.constant 0 : index
      %get3A_38 = vector.load %arg6[%get3A_36, %get3A_37] : memref<1024x1xf32, #tpu.memory_space<vmem>>, vector<1024x1xf32>
      %sub3A = arith.subf %get3A_32, %max3A : vector<1024x1xf32>
      %exp3A = math.exp %sub3A : vector<1024x1xf32>
      %mul3A = arith.mulf %get3A_38, %exp3A : vector<1024x1xf32>
      %get3A_39 = arith.constant 0 : index
      %get3A_40 = arith.constant 0 : index
      %get3A_41 = vector.load %arg8[%get3A_39, %get3A_40] : memref<1024x1xf32, #tpu.memory_space<vmem>>, vector<1024x1xf32>
      %get3A_42 = arith.constant 0 : index
      %get3A_43 = arith.constant 0 : index
      %get3A_44 = vector.load %arg7[%get3A_42, %get3A_43] : memref<1024x1xf32, #tpu.memory_space<vmem>>, vector<1024x1xf32>
      %sub3A_45 = arith.subf %get3A_44, %max3A : vector<1024x1xf32>
      %exp3A_46 = math.exp %sub3A_45 : vector<1024x1xf32>
      %mul3A_47 = arith.mulf %get3A_41, %exp3A_46 : vector<1024x1xf32>
      %add3A_48 = arith.addf %mul3A, %mul3A_47 : vector<1024x1xf32>
      %swap3A = arith.constant 0 : index
      %swap3A_49 = arith.constant 0 : index
      %swap3A_50 = vector.load %arg6[%swap3A, %swap3A_49] : memref<1024x1xf32, #tpu.memory_space<vmem>>, vector<1024x1xf32>
      tpu.vector_store %arg6[%swap3A, %swap3A_49], %add3A_48 {strides = array<i32>} : memref<1024x1xf32, #tpu.memory_space<vmem>>, vector<1024x1xf32>,
      %swap3A_51 = arith.constant 0 : index
      %swap3A_52 = arith.constant 0 : index
      %swap3A_53 = vector.load %arg5[%swap3A_51, %swap3A_52] : memref<1024x1xf32, #tpu.memory_space<vmem>>, vector<1024x1xf32>
      tpu.vector_store %arg5[%swap3A_51, %swap3A_52], %max3A {strides = array<i32>} : memref<1024x1xf32, #tpu.memory_space<vmem>>, vector<1024x1xf32>,
    } else {
    }
    %eq3A_25 = arith.constant 48 : i32
    %eq3A_26 = arith.cmpi eq, %arg0, %eq3A_25 : i32
    %convert_element_type3A_27 = arith.extui %eq3A_26 : i1 to i32
    %cond3A_28 = arith.constant 0 : i32
    %cond3A_29 = arith.cmpi ne, %convert_element_type3A_27, %cond3A_28 : i32
    scf.if %cond3A_29 {
      %get3A_30 = arith.constant 0 : index
      %get3A_31 = arith.constant 0 : index
      %get3A_32 = vector.load %arg5[%get3A_30, %get3A_31] : memref<1024x1xf32, #tpu.memory_space<vmem>>, vector<1024x1xf32>
      %get3A_33 = arith.constant 0 : index
      %get3A_34 = arith.constant 0 : index
      %get3A_35 = vector.load %arg6[%get3A_33, %get3A_34] : memref<1024x1xf32, #tpu.memory_space<vmem>>, vector<1024x1xf32>
      %log3A = math.log %get3A_35 : vector<1024x1xf32>
      %add3A_36 = arith.addf %get3A_32, %log3A : vector<1024x1xf32>
      %swap3A = arith.constant 0 : index
      %swap3A_37 = arith.constant 0 : index
      %swap3A_38 = vector.load %arg4[%swap3A, %swap3A_37] : memref<1024x1xf32, #tpu.memory_space<vmem>>, vector<1024x1xf32>
      tpu.vector_store %arg4[%swap3A, %swap3A_37], %add3A_36 {strides = array<i32>} : memref<1024x1xf32, #tpu.memory_space<vmem>>, vector<1024x1xf32>,
    } else {
    }
    return
  }
  func.func @transform_0(%arg0: i32) -> (i32, i32) {
    %c0_i32 = arith.constant 0 : i32
    %c0_i32_0 = arith.constant 0 : i32
    %c0_i32_1 = arith.constant 0 : i32
    return %c0_i32, %c0_i32_0 : i32, i32
  }
  func.func @transform_1(%arg0: i32) -> (i32, i32) {
    %c0_i32 = arith.constant 0 : i32
    %c0_i32_0 = arith.constant 0 : i32
    return %c0_i32, %arg0 : i32, i32
  }
  func.func @transform_2(%arg0: i32) -> (i32, i32) {
    %c0_i32 = arith.constant 0 : i32
    %c0_i32_0 = arith.constant 0 : i32
    return %c0_i32, %arg0 : i32, i32
  }
  func.func @transform_3(%arg0: i32) -> (i32, i32) {
    %c0_i32 = arith.constant 0 : i32
    %c0_i32_0 = arith.constant 0 : i32
    %c0_i32_1 = arith.constant 0 : i32
    return %c0_i32, %c0_i32_0 : i32, i32
  }
}

module attributes {stable_mosaic.version = 14 : i64} {
  func.func @_out_body(%arg0: i32, %arg1: memref<1024x128xf32, #tpu.memory_space<vmem>>, %arg2: memref<128x2048xf32, #tpu.memory_space<vmem>>, %arg3: memref<1x2048xf32, #tpu.memory_space<vmem>>, %arg4: memref<1024x1xf32, #tpu.memory_space<vmem>>, %arg5: memref<1024x2048xf32, #tpu.memory_space<vmem>>) attributes {dimension_semantics = [#tpu.dimension_semantics<parallel>], iteration_bounds = array<i64: 49>, scalar_prefetch = 0 : i64, scratch_operands = 0 : i64, tpu.core_type = #tpu.core_type<tc>, window_params = [{pipeline_mode = #tpu.pipeline_mode<synchronous>, transform_indices = @transform_0, window_bounds = array<i64: 1024, 128>}, {transform_indices = @transform_1, window_bounds = array<i64: 128, 2048>}, {transform_indices = @transform_2, window_bounds = array<i64: 1, 2048>}, {pipeline_mode = #tpu.pipeline_mode<synchronous>, transform_indices = @transform_3, window_bounds = array<i64: 1024, 1>}, {transform_indices = @transform_4, window_bounds = array<i64: 1024, 2048>}]} {
    %get3A = arith.constant 0 : index
    %get3A_0 = arith.constant 0 : index
    %get3A_1 = vector.load %arg1[%get3A, %get3A_0] : memref<1024x128xf32, #tpu.memory_space<vmem>>, vector<1024x128xf32>
    %get3A_2 = arith.constant 0 : index
    %get3A_3 = arith.constant 0 : index
    %get3A_4 = vector.load %arg2[%get3A_2, %get3A_3] : memref<128x2048xf32, #tpu.memory_space<vmem>>, vector<128x2048xf32>
    %dot_general3A = arith.constant dense<0.000000e+00> : vector<1024x2048xf32>
    %dot_general3A_5 = tpu.matmul %get3A_1, %get3A_4, %dot_general3A {dimension_numbers = #tpu.dot_dimension_numbers<[1], [0], [0], [1], [0, 0, 1, 1], [], []>, transpose_lhs_hint = false} : vector<1024x128xf32>, vector<128x2048xf32>, vector<1024x2048xf32> -> vector<1024x2048xf32>
    %get3A_6 = arith.constant 0 : index
    %get3A_7 = arith.constant 0 : index
    %get3A_8 = vector.load %arg3[%get3A_6, %get3A_7] : memref<1x2048xf32, #tpu.memory_space<vmem>>, vector<1x2048xf32>
    %add3A = vector.broadcast %get3A_8 : vector<1x2048xf32> to vector<1024x2048xf32>
    %add3A_9 = arith.addf %dot_general3A_5, %add3A : vector<1024x2048xf32>
    %get3A_10 = arith.constant 0 : index
    %get3A_11 = arith.constant 0 : index
    %get3A_12 = vector.load %arg4[%get3A_10, %get3A_11] : memref<1024x1xf32, #tpu.memory_space<vmem>>, vector<1024x1xf32>
    %sub3A = vector.broadcast %get3A_12 : vector<1024x1xf32> to vector<1024x2048xf32>
    %sub3A_13 = arith.subf %add3A_9, %sub3A : vector<1024x2048xf32>
    %swap3A = arith.constant 0 : index
    %swap3A_14 = arith.constant 0 : index
    %swap3A_15 = vector.load %arg5[%swap3A, %swap3A_14] : memref<1024x2048xf32, #tpu.memory_space<vmem>>, vector<1024x2048xf32>
    tpu.vector_store %arg5[%swap3A, %swap3A_14], %sub3A_13 {strides = array<i32>} : memref<1024x2048xf32, #tpu.memory_space<vmem>>, vector<1024x2048xf32>,
    return
  }
  func.func @transform_0(%arg0: i32) -> (i32, i32) {
    %c0_i32 = arith.constant 0 : i32
    %c0_i32_0 = arith.constant 0 : i32
    %c0_i32_1 = arith.constant 0 : i32
    return %c0_i32, %c0_i32_0 : i32, i32
  }
  func.func @transform_1(%arg0: i32) -> (i32, i32) {
    %c0_i32 = arith.constant 0 : i32
    %c0_i32_0 = arith.constant 0 : i32
    return %c0_i32, %arg0 : i32, i32
  }
  func.func @transform_2(%arg0: i32) -> (i32, i32) {
    %c0_i32 = arith.constant 0 : i32
    %c0_i32_0 = arith.constant 0 : i32
    return %c0_i32, %arg0 : i32, i32
  }
  func.func @transform_3(%arg0: i32) -> (i32, i32) {
    %c0_i32 = arith.constant 0 : i32
    %c0_i32_0 = arith.constant 0 : i32
    %c0_i32_1 = arith.constant 0 : i32
    return %c0_i32, %c0_i32_0 : i32, i32
  }
  func.func @transform_4(%arg0: i32) -> (i32, i32) {
    %c0_i32 = arith.constant 0 : i32
    %c0_i32_0 = arith.constant 0 : i32
    return %c0_i32, %arg0 : i32, i32
  }
}

</mosaic_0001>

<sc_bundles>
// kernel: kernel.6.cloned.1.call-start
scs
__scs_entry_jumppad:
0x0: {  	(pc) =	sbr.rel $0x88, $3  }
0x1: {  	(tag) =	ssettag $0x0;
	lr =	simm.s32 $0x1  }
0x2: {  	[smem:$0x3F97] =	sst lr;
	_ =	strace $0xD0000000  }
0x3: {  	_ = 	snop  }
0x4: {  	_ = 	snop  }
0x5: {  	_ = 	snop  }
0x6: {  	_ = 	snop  }
0x7: {  	_ = 	snop  }
__scs_overlays_trampoline_lowered:
0x8: {  	[smem:$0x3FA6] =	sst s0  }
0x9: {  	[smem:$0x3FA7] =	sst s1  }
0xa: {  	[smem:$0x3FA8] =	sst s2  }
0xb: {  	[smem:$0x3FA9] =	sst s3  }
0xc: {  	[smem:$0x3FAA] =	sst s4  }
0xd: {  	[smem:$0x3FAB] =	sst s5  }
0xe: {  	[smem:$0x3FAC] =	sst s6  }
0xf: {  	[smem:$0x3FAD] =	sst s7  }
0x10: {  	[smem:$0x3FAE] =	sst s8  }
0x11: {  	[smem:$0x3FAF] =	sst s9;
	s0 =	simm.s32 @!p0 $0x0  }
0x12: {  	s1 =	sld [smem:$0x3F95];
	s0 =	simm.s32 @p0 $0x1  }
0x13: {  	[smem:$0x3FB0] =	sst s0;
	s0 =	simm.s32 @!p1 $0x0  }
0x14: {  	s2 =	sld [smem:$0x3F94];
	s0 =	simm.s32 @p1 $0x1  }
0x15: {  	[smem:$0x3FB1] =	sst s0;
	s0 =	simm.s32 @!p2 $0x0  }
0x16: {  	s3 =	sld [smem:$0x3FDB];
	s0 =	simm.s32 @p2 $0x1  }
0x17: {  	s4 =	simm.s32 $0x1BF5;
	[smem:$0x3FB3] =	sst s0  }
0x18: {  	s0 =	sld [smem:$0x3F96];
	_ =	swait.ge [sflag:s4], $0x0  }
0x19: {  	s7 =	sld [smem:$0x3F97]  }
0x1a: {  	s8 =	sadd.s32 $0xFFFFE003, lr  }
0x1b: {  	s9 =	sadd.s32 $0xFFFFFEF7, lr;
	s5 =	simm.s32 $0xFFFFFFFF;
	p2 =	slt.u32 s8, $0xFFFFF086  }
0x1c: {  	p1 =	slt.u32 s9, $0xF7A;
	s5 =	simm.s32 @!p2 $0x0  }
0x1d: {  	s5 =	simm.s32 @p1 $0x1;
	p0 =	seq.s32 s7, s2  }
0x1e: {  	s7 =	smul.u32 @!p0 $0xF7A, s2;
	p2 =	seq.s32 @!p0 s5, $0x0  }
0x1f: {  	s9 =	smul.u32 $0xF7A, s1;
	s8 =	simm.s32 @!p0 $0x1BF5;
	p2 =	por !p2, p0  }
0x20: {  	[sflag:s8] =	ssyncset.s32 @!p0 $0xFFFFF086;
	s6 =	sadd.s32 @!p0 s3, s7;
	s7 =	simm.s32 @!p0 $0x108  }
0x21: {  	s3 =	sadd.s32 s3, s9;
	s6 =	sadd.s32 @!p0 $0x88, s6;
	s7 =	simm.s32 @p2 $0x1082  }
0x22: {  	[simem:s7], [sflag:s8] =	dma.local @!p0 [hbm:s6], $0xF7A  }
0x23: {  	s9 =	sor.u32 $0xD0000000, s2;
	s6 =	simm.s32 $0x108;
	_ =	swait.ge @!p0 [sflag:s8], $0x0  }
0x24: {  	s3 =	sadd.s32 $0x88, s3;
	s6 =	simm.s32 @!p1 $0x1082;
	[sflag:s4] =	ssyncset.s32 $0xFFFFF086  }
0x25: {  	[simem:s6], [sflag:s4] =	dma.local [hbm:s3], $0xF7A  }
0x26: {  	[smem:$0x3F97] =	sst s1;
	(tag) =	ssettag s2;
	_ =	strace s9  }
0x27: {  	s1 =	sld [smem:$0x3FA7]  }
0x28: {  	s2 =	sld [smem:$0x3FA8]  }
0x29: {  	s4 =	sld [smem:$0x3FAA]  }
0x2a: {  	p0 =	seq.s32 s5, $0x0;
	s5 =	sld [smem:$0x3FAB]  }
0x2b: {  	s6 =	sld [smem:$0x3FAC]  }
0x2c: {  	s7 =	sld [smem:$0x3FAD]  }
0x2d: {  	s3 =	simm.s32 $0x108;
	s8 =	sld [smem:$0x3FAE]  }
0x2e: {  	s3 =	simm.s32 @!p0 $0x1082;
	s9 =	sld [smem:$0x3FAF]  }
0x2f: {  	lr =	sadd.s32 s0, s3;
	s0 =	sld [smem:$0x3FA6]  }
0x30: {  	s3 =	sld [smem:$0x3FA9]  }
0x31: {  	[smem:$0x3FB2] =	sst s10  }
0x32: {  	s10 =	sld [smem:$0x3FB0];
	_ =	sdelay $0x3  }
0x33: {  	p0 =	seq.s32 s10, $0x1;
	s10 =	sld [smem:$0x3FB2];
	_ =	sdelay $0x3  }
0x34: {  	[smem:$0x3FB2] =	sst s10  }
0x35: {  	s10 =	sld [smem:$0x3FB1];
	_ =	sdelay $0x3  }
0x36: {  	p1 =	seq.s32 s10, $0x1;
	s10 =	sld [smem:$0x3FB2];
	_ =	sdelay $0x3  }
0x37: {  	[smem:$0x3FB2] =	sst s10  }
0x38: {  	s10 =	sld [smem:$0x3FB3]  }
0x39: {  	_ = 	snop;
	(pc) =	sbr.ind lr, $3  }
0x3a: {  	_ = 	snop  }
0x3b: {  	_ = 	snop  }
0x3c: {  	p2 =	seq.s32 s10, $0x1;
	s10 =	sld [smem:$0x3FB2]  }
0x3d: {  	_ =	shalt  }
0x3e: {  	_ =	shalt  }
0x3f: {  	_ =	shalt  }
0x40: {  	_ =	shalt  }
0x41: {  	_ =	shalt  }
0x42: {  	_ =	shalt  }
0x43: {  	_ =	shalt  }
0x44: {  	_ =	shalt  }
0x45: {  	_ =	shalt  }
0x46: {  	_ =	shalt  }
0x47: {  	_ =	shalt  }
0x48: {  	_ =	shalt  }
0x49: {  	_ =	shalt  }
0x4a: {  	_ =	shalt  }
0x4b: {  	_ =	shalt  }
0x4c: {  	_ =	shalt  }
0x4d: {  	_ =	shalt  }
0x4e: {  	_ =	shalt  }
0x4f: {  	_ =	shalt  }
0x50: {  	_ =	shalt  }
0x51: {  	_ =	shalt  }
0x52: {  	_ =	shalt  }
0x53: {  	_ =	shalt  }
0x54: {  	_ =	shalt  }
0x55: {  	_ =	shalt  }
0x56: {  	_ =	shalt  }
0x57: {  	_ =	shalt  }
0x58: {  	_ =	shalt  }
0x59: {  	_ =	shalt  }
0x5a: {  	_ =	shalt  }
0x5b: {  	_ =	shalt  }
0x5c: {  	_ =	shalt  }
0x5d: {  	_ =	shalt  }
0x5e: {  	_ =	shalt  }
0x5f: {  	_ =	shalt  }
0x60: {  	_ =	shalt  }
0x61: {  	_ =	shalt  }
0x62: {  	_ =	shalt  }
0x63: {  	_ =	shalt  }
0x64: {  	_ =	shalt  }
0x65: {  	_ =	shalt  }
0x66: {  	_ =	shalt  }
0x67: {  	_ =	shalt  }
0x68: {  	_ =	shalt  }
0x69: {  	_ =	shalt  }
0x6a: {  	_ =	shalt  }
0x6b: {  	_ =	shalt  }
0x6c: {  	_ =	shalt  }
0x6d: {  	_ =	shalt  }
0x6e: {  	_ =	shalt  }
0x6f: {  	_ =	shalt  }
0x70: {  	_ =	shalt  }
0x71: {  	_ =	shalt  }
0x72: {  	_ =	shalt  }
0x73: {  	_ =	shalt  }
0x74: {  	_ =	shalt  }
0x75: {  	_ =	shalt  }
0x76: {  	_ =	shalt  }
0x77: {  	_ =	shalt  }
0x78: {  	_ =	shalt  }
0x79: {  	_ =	shalt  }
0x7a: {  	_ =	shalt  }
0x7b: {  	_ =	shalt  }
0x7c: {  	_ =	shalt  }
0x7d: {  	_ =	shalt  }
0x7e: {  	_ =	shalt  }
0x7f: {  	_ =	shalt  }
0x80: {  	_ =	shalt  }
0x81: {  	_ =	shalt  }
0x82: {  	_ =	shalt  }
0x83: {  	_ =	shalt  }
0x84: {  	_ =	shalt  }
0x85: {  	_ =	shalt  }
0x86: {  	_ =	shalt  }
0x87: {  	_ =	shalt  }
.Lfunc_end0:
.L_simem_size_0:
called_computation_lowered:
.L_overlay_start_0:
0x88: {  	s2 =	sld [smem:$0x3FD9]  }
0x89: {  	s3 =	sld [smem:$0x3FFE];
	_ =	sdelay $0x1  }
0x8a: {  	s1 =	srdreg.scid  }
0x8b: {  	s0 =	sand.u32 $0x1, s1  }
0x8c: {  	s16 =	sshll.u32 s0, $0xA;
	s2 =	sadd.s32 s3, s2  }
0x8d: {  	s2 =	sadd.s32 s2, s16  }
0x8e: {  	[smem:$0x3FBE] =	sst s2  }
0x8f: {  	_ = 	snop  }
0x90: {  	(tm) =	ssettm $0x1  }
0x91: {  	s17 =	sld [smem:$0x3FFB];
	_ =	sdelay $0x3  }
0x92: {  	_ =	strace s17  }
0x93: {  	s2 =	sld [smem:$0x3FFC];
	_ =	sdelay $0x3  }
0x94: {  	_ =	strace s2  }
0x95: {  	s2 =	sld [smem:$0x3FFD];
	_ =	sdelay $0x3  }
0x96: {  	_ =	strace s2  }
0x97: {  	_ =	strace $0x8FFFFFFF  }
0x98: {  	s18 =	sld [smem:$0x3FDB];
	_ =	sdelay $0x1  }
0x99: {  	s19 =	simm.s32 $_scs_section_size  }
0x9a: {  	s4 =	simm.s32 $_size__tile_overlayer_lowered;
	s5 =	simm.s32 $_tile_overlayer_lowered  }
0x9b: {  	s22 =	simm.s32 $0x1BFF;
	s21 =	sshll.u32 s5, $0x1;
	s2 =	sadd.s32 s19, s18  }
0x9c: {  	s6 =	simm.s32 $0x0;
	s20 =	sshll.u32 s4, $0x1;
	s4 =	sadd.s32 s21, s2  }
0x9d: {  	[timem:s6], [sflag:s22] =	dma.local [hbm:s4], s20  }
0x9e: {  	_ =	swait.ge [sflag:s22], s20  }
0x9f: {  	s3 =	ssub.s32 $0x0, s20;
	[sflag:s22] =	ssyncset.done $0x0  }
0xa0: {  	[sflag:s22] =	ssyncadd.s32 s3;
	_ =	sdelay $0x1  }
0xa1: {  	s23 =	simm.s32 $0x1B8B  }
0xa2: {  	_ =	swait.ge [sflag:s23], $0x1  }
0xa3: {  	[sflag:s23] =	ssyncset.done $0x0  }
0xa4: {  	s25 =	simm.s32 $0x1B8E;
	s24 =	sld [smem:$0x3FFE];
	[sflag:s23] =	ssyncadd.s32 $0xFFFFFFFF  }
0xa5: {  	s26 =	simm.s32 $execute0_lowered;
	[smem:$0x3FD2] =	sst s25  }
0xa6: {  	s4 =	sshll.u32 s26, $0x1;
	_ =	strace $0x80000046;
	[dreg:$0x1] =	wrdreg $0xFFFFFFFF  }
0xa7: {  	s28 =	simm.s32 $_size_execute0_lowered;
	s2 =	sadd.s32 s2, s4;
	[dreg:$0x0] =	wrdreg $0x0  }
0xa8: {  	s4 =	sshll.u32 s28, $0x1;
	[dreg:$0x2] =	wrdreg s2  }
0xa9: {  	[dreg:$0x3] =	wrdreg s4  }
0xaa: {  	[dreg:$0x4] =	wrdreg $0xC0  }
0xab: {  	_ =	task [dreg:s6], $0x5FFFF  }
0xac: {  	[dreg:$0x1] =	wrdreg $0xFFFFFFFF  }
0xad: {  	[dreg:$0x0] =	wrdreg $0x60  }
0xae: {  	[dreg:$0x2] =	wrdreg s24  }
0xaf: {  	[dreg:$0x3] =	wrdreg $0x9  }
0xb0: {  	_ =	task.clear_ibuf [dreg:s6], $0x4FFFF;
	_ =	strace $0x90000046  }
0xb1: {  	s29 =	simm.s32 $0x9;
	_ =	strace $0x80000048  }
0xb2: {  	_ =	swait.ge [sflag:s29], $0x1  }
0xb3: {  	[sflag:s29] =	ssyncadd.s32 $0xFFFFFFFF  }
0xb4: {  	_ =	strace $0x90000048  }
0xb5: {  	_ =	sfence  }
0xb6: {  	s30 =	sld [smem:$0x0];
	_ =	sdelay $0x2  }
0xb7: {  	s31 =	sshll.u32 s1, $0xD;
	s1 =	sshrl.u32 s1, $0x2  }
0xb8: {  	s3 =	sand.u32 $0x4000, s31;
	s1 =	sadd.s32 s1, s30  }
0xb9: {  	s0 =	sor.u32 s3, s0;
	s1 =	sshll.u32 s1, $0x11  }
0xba: {  	s0 =	sor.u32 s1, s0  }
0xbb: {  	s0 =	sadd.s32 $0x8F2B, s0  }
0xbc: {  	[sflag:s0] =	ssyncadd.remote.s32 $0x1  }
0xbd: {  	_ =	sfence.sel $0xFFFF  }
0xbe: {  	[dreg:$0x0] =	wrdreg $0xFFFFFFFF;
	(pc) =	sbr.abs _section_cstart, $3  }
0xbf: {  	[dreg:$0x1] =	wrdreg $0xFFFFFFFF  }
0xc0: {  	_ =	task.clear_ibuf [dreg:s6], $0x2FFFF;
	_ =	strace $0x9FFFFFFF  }
0xc1: {  	(tm) =	ssettm $0x7FFFFFFF  }
tec
execute0_lowered:
.L_overlay_start_1:
0x0: {  	(tag) =	ssettag $0x1  }
0x1: {  	s1 =	srdreg.scid;
	s0 =	stileid.u32  }
0x2: {  	s6 =	sand.u32 $0x1, s1;
	s30 =	sshll.u32 s0, $0x1  }
0x3: {  	s8 =	rddreg [dreg:$0x0];
	s7 =	sor.u32 s6, s30  }
0x4: {  	s2 =	simm.s32 $0x0;
	s1 =	rddreg [dreg:$0x1];
	s3 =	smul.u32 $0x50, s7  }
0x5: {  	[smem:$0x7FF] =	sst s2;
	s5 =	sadd.s32 $0x1C00, s8  }
0x6: {  	_ =	strace $0x80000047;
	s10 =	ssub.s32 $0x2, s6;
	s3 =	sadd.s32 s3, s8  }
0x7: {  	s6 =	simm.s32 $0x280;
	s4 =	sadd.s32 $0x1200, s3;
	s3 =	simm.s32 $0x2  }
0x8: {  	[tilespmem:s2], [sflag:$0x2] =	stream.linear.gather [hbm4b:s4+s2], $0x280, $0x38;
	[tilespmem:$0x5280] =	vst v63  }
0x9: {  	s9 =	smul.u32 $0xA00, s7;
	s11 =	sshrl.u32 s10, $0x1;
	_ =	swait.ge [sflag:s3], $0x280  }
0xa: {  	s7 =	simm.s32 $0x1;
	s31 =	ssub.s32 s10, s11;
	[sflag:s3] =	ssyncset.done $0x0  }
0xb: {  	s8 =	sadd.s32 s9, s8;
	s9 =	smax.u32 s31, $0x1;
	[sflag:s3] =	ssyncadd.s32 $0xFFFFFD80  }
0xc: {  	[tilespmem:s6], [sflag:$0x1] =	stream.indirect.gather [hbm4b:s5+s6], $0x20, s2, s6, $0xb8;
	[tilespmem:$0x5280] =	vst v63  }
0xd: {  	p0 =	sne.s32 s9, $0x1;
	_ =	swait.ge [sflag:s7], $0x5000  }
.Ltmp0:
0xe: {  	[sflag:s7] =	ssyncset.done $0x0;
	(pc) =	sbr.rel @!p0 .LBB2_2-.Ltmp0, $4  }
0xf: {  	s8 =	sadd.s32 $0x63800, s8;
	[sflag:s7] =	ssyncadd.s32 $0xFFFFB000  }
0x10: {  	[hbm4b:s8+s2] =	stream.linear.scatter [tilespmem:s6], [sflag:$0x2], $0x5000, $0x38;
	[tilespmem:$0x5280] =	vst v63  }
0x11: {  	_ =	swait.ge [sflag:s3], $0x5000  }
0x12: {  	s9 =	sadd.s32 $0xFFFFFFFF, s9;
	[sflag:s3] =	ssyncset.done $0x0  }
.LBB2_1:
0x13: {  	p0 =	sne.s32 s9, $0x1;
	s9 =	sadd.s32 $0xFFFFFFFF, s9;
	[sflag:s3] =	ssyncadd.s32 $0xFFFFB000  }
0x14: {  	[tilespmem:s2], [sflag:$0x2] =	stream.linear.gather [hbm4b:s4+s2], $0x280, $0x38;
	[tilespmem:$0x5280] =	vst v63  }
0x15: {  	_ =	swait.ge [sflag:s3], $0x280  }
0x16: {  	[sflag:s3] =	ssyncset.done $0x0  }
0x17: {  	[sflag:s3] =	ssyncadd.s32 $0xFFFFFD80  }
0x18: {  	[tilespmem:s6], [sflag:$0x1] =	stream.indirect.gather [hbm4b:s5+s6], $0x20, s2, s6, $0xb8;
	[tilespmem:$0x5280] =	vst v63  }
0x19: {  	_ =	swait.ge [sflag:s7], $0x5000  }
.Ltmp1:
0x1a: {  	[sflag:s7] =	ssyncset.done $0x0;
	(pc) =	sbr.rel @p0 .LBB2_1-.Ltmp1, $4  }
0x1b: {  	[sflag:s7] =	ssyncadd.s32 $0xFFFFB000  }
0x1c: {  	[hbm4b:s8+s2] =	stream.linear.scatter [tilespmem:s6], [sflag:$0x2], $0x5000, $0x38;
	[tilespmem:$0x5280] =	vst v63  }
0x1d: {  	_ =	swait.ge [sflag:s3], $0x5000  }
0x1e: {  	[sflag:s3] =	ssyncset.done $0x0  }
.LBB2_2:
0x1f: {  	[sflag:s3] =	ssyncadd.s32 $0xFFFFB000  }
0x20: {  	_ =	sfence.sel $0x180000  }
0x21: {  	[bflag:$0x0] =	sbarrier.arrive $0xFFFF  }
0x22: {  	p0 =	sne.s32 s0, $0x0;
	_ =	strace $0x90000047  }
0x23: {  	s0 =	sadd.s32 @!p0 $0x100000, s1;
	[bflag:$0x2] =	sbarrier.arrive $0xFFFF  }
0x24: {  	[sflag:s0] =	ssyncadd.tile.s32 @!p0 $0x1;
	_ =	shalt  }
.Lfunc_end2:
_tile_overlayer_lowered:
.L_overlay_start_2:
0x25: {  	(tag) =	ssettag $0x2  }
0x26: {  	s0 =	rddreg [dreg:$0x0];
	s2 =	stileid.u32  }
0x27: {  	s1 =	rddreg [dreg:$0x1];
	p0 =	sne.s32 s2, $0x0  }
0x28: {  	s3 =	rddreg [dreg:$0x2];
	[bflag:$0x3] =	sbarrier.arrive $0xFFFF;
	s2 =	simm.s32 @!p0 $0x1C02  }
0x29: {  	[timem:s3], [sflag:s2] =	dma.local @!p0 [hbm:s0], s1  }
0x2a: {  	s0 =	simm.s32 @!p0 $0x2  }
0x2b: {  	_ =	swait.ge @!p0 [sflag:s0], s1  }
0x2c: {  	s1 =	ssub.s32 @!p0 $0x0, s1;
	[sflag:s0] =	ssyncset.done @!p0 $0x0  }
0x2d: {  	[sflag:s0] =	ssyncadd.s32 @!p0 s1  }
0x2e: {  	[bflag:$0x3] =	sbarrier.arrive $0xFFFF  }
0x2f: {  	_ =	shalt  }

</sc_bundles>
